<compile_context>
chip_gen: v7x
topology: tpu7x:2x2x1
jax: 0.10.2.dev20260603
libtpu: 0.0.44.dev20260713+nightly
codegen_flags: <defaults>
</compile_context>

<pallas_src>
import functools

import jax
import jax.numpy as jnp
from jax import lax
from jax.experimental import pallas as pl
from jax.experimental.pallas import tpu as pltpu
from jax.experimental.pallas import tpu_sc as plsc

CARDS = 100000
EMB_D = 128
CTX = 200
HID = 128

_NC = 2
_NS = 16
_NW = _NC * _NS
_CTX_PAD = 256
_BPW = _CTX_PAD // _NW

_KS = 4
_BK = CTX * EMB_D // _KS

_BV = 25600
_GB = (CARDS + _BV - 1) // _BV

_STEPS = _KS + 2 * _GB


def _sc_gather(table, idx_pad):
    mesh = plsc.VectorSubcoreMesh(core_axis_name="c", subcore_axis_name="s")

    @functools.partial(
        pl.kernel,
        mesh=mesh,
        out_type=jax.ShapeDtypeStruct((_CTX_PAD, EMB_D), jnp.float32),
        scratch_types=[
            pltpu.VMEM((_BPW,), jnp.int32),
            pltpu.VMEM((_BPW, EMB_D), jnp.float32),
            pltpu.SemaphoreType.DMA,
        ],
    )
    def k(table_hbm, idx_hbm, out_hbm, idx_v, rows_v, sem):
        wid = lax.axis_index("s") * _NC + lax.axis_index("c")
        base = wid * _BPW
        pltpu.sync_copy(idx_hbm.at[pl.ds(base, _BPW)], idx_v)
        pltpu.async_copy(table_hbm.at[idx_v], rows_v, sem).wait()
        pltpu.sync_copy(rows_v, out_hbm.at[pl.ds(base, _BPW)])

    return k(table, idx_pad)


def _fused_body(x_ref, w1_ref, b1_ref, w2t_ref, b2_ref,
                out_ref, h_ref, tiles_ref, m_ref, s_ref):
    j = pl.program_id(0)

    @pl.when(j == 0)
    def _():
        h_ref[...] = jnp.zeros_like(h_ref)
        m_ref[0] = -jnp.inf
        s_ref[0] = 0.0

    @pl.when(j < _KS)
    def _():
        acc = h_ref[...] + jnp.dot(x_ref[...], w1_ref[...],
                                   preferred_element_type=jnp.float32)
        h_ref[...] = jnp.where(
            j == _KS - 1, jnp.maximum(acc + b1_ref[...], 0.0), acc)

    @pl.when(jnp.logical_and(j >= _KS, j < _KS + _GB))
    def _():
        jv = j - _KS
        tile = lax.dot_general(
            h_ref[...], w2t_ref[...], (((1,), (1,)), ((), ())),
            preferred_element_type=jnp.float32) + b2_ref[...].reshape(1, _BV)
        col = jv * _BV + lax.broadcasted_iota(jnp.int32, (1, _BV), 1)
        valid = col < CARDS
        tmax = jnp.max(jnp.where(valid, tile, -jnp.inf))
        m_old = m_ref[0]
        m_new = jnp.maximum(m_old, tmax)
        s_ref[0] = (s_ref[0] * jnp.exp(m_old - m_new)
                    + jnp.sum(jnp.where(valid, jnp.exp(tile - m_new), 0.0)))
        m_ref[0] = m_new
        tiles_ref[jv] = tile

    @pl.when(j >= _KS + _GB)
    def _():
        jw = j - _KS - _GB
        out_ref[...] = tiles_ref[jw] - (m_ref[0] + jnp.log(s_ref[0]))


def _fused_layer(x, W1, b1r, W2T, b2):
    kclip = lambda j: jnp.minimum(j, _KS - 1)
    vclip = lambda j: jnp.clip(j - _KS, 0, _GB - 1)
    wclip = lambda j: jnp.clip(j - _KS - _GB, 0, _GB - 1)
    return pl.pallas_call(
        _fused_body,
        grid=(_STEPS,),
        in_specs=[
            pl.BlockSpec((1, _BK), lambda j: (0, kclip(j))),
            pl.BlockSpec((_BK, HID), lambda j: (kclip(j), 0)),
            pl.BlockSpec((1, HID), lambda j: (0, 0)),
            pl.BlockSpec((_BV, HID), lambda j: (vclip(j), 0)),
            pl.BlockSpec((_BV,), lambda j: (vclip(j),)),
        ],
        out_specs=pl.BlockSpec((1, _BV), lambda j: (0, wclip(j))),
        out_shape=jax.ShapeDtypeStruct((1, CARDS), jnp.float32),
        scratch_shapes=[
            pltpu.VMEM((1, HID), jnp.float32),
            pltpu.VMEM((_GB, 1, _BV), jnp.float32),
            pltpu.SMEM((1,), jnp.float32),
            pltpu.SMEM((1,), jnp.float32),
        ],
    )(x, W1, b1r, W2T, b2)


def kernel(inputs, emb_table, W1, b1, W2, b2):
    idx = inputs.astype(jnp.int32)
    idx_pad = jnp.zeros((_CTX_PAD,), jnp.int32).at[:CTX].set(idx)
    embeds = _sc_gather(emb_table, idx_pad)
    x = embeds[:CTX].reshape(1, CTX * EMB_D)
    b1r = b1.reshape(1, HID)
    return _fused_layer(x, W1, b1r, W2.T, b2)

# --- scband reference (transcript-rebuilt; emitter-appended) ---
"""Pipeline reference for scband-embedding-model-27384711479981 (READ-ONLY COPY).

The authoritative reference and input builder live on the scoring server;
editing this copy changes nothing except your own understanding.
"""

import jax, jax.numpy as jnp
import numpy as np

CARDS_NUMBER = 100000
EMBED_DIM = 128
CONTEXT_SIZE = 200
HIDDEN = 128

def setup_inputs(seed: int = 0) -> dict:
    key = jax.random.key(seed)
    k_idx, k_emb, k_w1, k_b1, k_w2, k_b2 = jax.random.split(key, 6)
    inputs = jax.random.randint(k_idx, (CONTEXT_SIZE,), 0, CARDS_NUMBER, dtype=jnp.int64 if jax.config.jax_enable_x64 else jnp.int32)
    emb_table = jax.random.normal(k_emb, (CARDS_NUMBER, EMBED_DIM), dtype=jnp.float32)
    fan_in1 = CONTEXT_SIZE * EMBED_DIM
    W1 = jax.random.normal(k_w1, (fan_in1, HIDDEN), dtype=jnp.float32) * (1.0 / np.sqrt(fan_in1))
    b1 = jax.random.normal(k_b1, (HIDDEN,), dtype=jnp.float32) * 0.01
    W2 = jax.random.normal(k_w2, (HIDDEN, CARDS_NUMBER), dtype=jnp.float32) * (1.0 / np.sqrt(HIDDEN))
    b2 = jax.random.normal(k_b2, (CARDS_NUMBER,), dtype=jnp.float32) * 0.01
    return {"inputs": inputs, "emb_table": emb_table, "W1": W1, "b1": b1, "W2": W2, "b2": b2}

def reference(inputs, emb_table, W1, b1, W2, b2):
    embeds = jnp.take(emb_table, inputs, axis=0).reshape((1, -1))
    out = jax.nn.relu(embeds @ W1 + b1)
    out = out @ W2 + b2
    log_probs = jax.nn.log_softmax(out, axis=1)
    return log_probs

if __name__ == "__main__":
    import jax
    _d = setup_inputs()
    print(jax.jit(kernel)(*tuple(_d.values())))

</pallas_src>

<mosaic_0001>
#map = affine_map<(d0, d1) -> (0, 0)>
#map1 = affine_map<(d0, d1) -> (0)>
module attributes {stable_mosaic.version = 14 : i64} {
  func.func @k(%arg0: i32, %arg1: i32, %arg2: memref<100000x128xf32, #tpu.memory_space<hbm>>, %arg3: memref<256xi32, #tpu.memory_space<hbm>>, %arg4: memref<256x128xf32, #tpu.memory_space<hbm>>, %arg5: memref<8xi32, #tpu.memory_space<vmem>>, %arg6: memref<8x128xf32, #tpu.memory_space<vmem>>, %arg7: memref<!tpu.dma_semaphore, #tpu.memory_space<semaphore_mem>>) attributes {dimension_semantics = [#tpu.dimension_semantics<core_parallel>, #tpu.dimension_semantics<subcore_parallel>], iteration_bounds = array<i64: 2, 16>, scalar_prefetch = 0 : i64, scratch_operands = 3 : i64, tpu.core_type = #tpu.core_type<sc_vector_subcore>, window_params = [{transform_indices = #map}, {transform_indices = #map1}, {transform_indices = #map}]} {
    %mul3A = arith.constant 2 : i32
    %mul3A_0 = arith.muli %arg1, %mul3A : i32
    %add3A = arith.addi %mul3A_0, %arg0 : i32
    %mul3A_1 = arith.constant 8 : i32
    %mul3A_2 = arith.muli %add3A, %mul3A_1 : i32
    "tpu.region"() ({
      %run_scoped3A = tpu.sem_alloc : memref<!tpu.dma_semaphore, #tpu.memory_space<semaphore_mem>>
      %dma_start3A_7 = tpu.memref_slice %arg3[%mul3A_2] : memref<256xi32, #tpu.memory_space<hbm>> -> memref<8xi32, #tpu.memory_space<hbm>>
      %dma_start3A_8 = tpu.memref_slice %arg3[%mul3A_2] : memref<256xi32, #tpu.memory_space<hbm>> -> memref<8xi32, #tpu.memory_space<hbm>>
      tpu.enqueue_dma source(%dma_start3A_8 : memref<8xi32, #tpu.memory_space<hbm>>) target(%arg5 : memref<8xi32, #tpu.memory_space<vmem>>) target_semaphore(%run_scoped3A : memref<!tpu.dma_semaphore, #tpu.memory_space<semaphore_mem>>)
      %dma_wait3A_9 = tpu.memref_slice %arg3[%mul3A_2] : memref<256xi32, #tpu.memory_space<hbm>> -> memref<8xi32, #tpu.memory_space<hbm>>
      %dma_wait3A_10 = tpu.memref_slice %arg3[%mul3A_2] : memref<256xi32, #tpu.memory_space<hbm>> -> memref<8xi32, #tpu.memory_space<hbm>>
      tpu.wait_dma2 semaphore(%run_scoped3A : memref<!tpu.dma_semaphore, #tpu.memory_space<semaphore_mem>>) src(%dma_wait3A_10 : memref<8xi32, #tpu.memory_space<hbm>>) dst(%arg5 : memref<8xi32, #tpu.memory_space<vmem>>)
      tpu.yield
    }) : () -> ()
    %dma_start3A = arith.constant 0 : i32
    %dma_start3A_3 = arith.constant 0 : i32
    %dma_start3A_4 = tpu.memref_slice %arg2[%dma_start3A, %dma_start3A_3] : memref<100000x128xf32, #tpu.memory_space<hbm>> -> memref<100000x128xf32, #tpu.memory_space<hbm>>
    tpu.enqueue_indirect_dma source(%dma_start3A_4 : memref<100000x128xf32, #tpu.memory_space<hbm>>) target(%arg6 : memref<8x128xf32, #tpu.memory_space<vmem>>) offsets(%arg5 : memref<8xi32, #tpu.memory_space<vmem>>) semaphore(%arg7 : memref<!tpu.dma_semaphore, #tpu.memory_space<semaphore_mem>>)
    %dma_wait3A = arith.constant 0 : i32
    %dma_wait3A_5 = arith.constant 0 : i32
    %dma_wait3A_6 = tpu.memref_slice %arg2[%dma_wait3A, %dma_wait3A_5] : memref<100000x128xf32, #tpu.memory_space<hbm>> -> memref<100000x128xf32, #tpu.memory_space<hbm>>
    tpu.wait_indirect_dma semaphore(%arg7 : memref<!tpu.dma_semaphore, #tpu.memory_space<semaphore_mem>>) src(%dma_wait3A_6 : memref<100000x128xf32, #tpu.memory_space<hbm>>) dst(%arg6 : memref<8x128xf32, #tpu.memory_space<vmem>>)
    "tpu.region"() ({
      %run_scoped3A = tpu.sem_alloc : memref<!tpu.dma_semaphore, #tpu.memory_space<semaphore_mem>>
      %dma_start3A_7 = arith.constant 0 : i32
      %dma_start3A_8 = tpu.memref_slice %arg4[%mul3A_2, %dma_start3A_7] : memref<256x128xf32, #tpu.memory_space<hbm>> -> memref<8x128xf32, #tpu.memory_space<hbm>>
      %dma_start3A_9 = arith.constant 0 : i32
      %dma_start3A_10 = tpu.memref_slice %arg4[%mul3A_2, %dma_start3A_9] : memref<256x128xf32, #tpu.memory_space<hbm>> -> memref<8x128xf32, #tpu.memory_space<hbm>>
      tpu.enqueue_dma source(%arg6 : memref<8x128xf32, #tpu.memory_space<vmem>>) target(%dma_start3A_10 : memref<8x128xf32, #tpu.memory_space<hbm>>) target_semaphore(%run_scoped3A : memref<!tpu.dma_semaphore, #tpu.memory_space<semaphore_mem>>)
      %dma_wait3A_11 = arith.constant 0 : i32
      %dma_wait3A_12 = tpu.memref_slice %arg4[%mul3A_2, %dma_wait3A_11] : memref<256x128xf32, #tpu.memory_space<hbm>> -> memref<8x128xf32, #tpu.memory_space<hbm>>
      %dma_wait3A_13 = arith.constant 0 : i32
      %dma_wait3A_14 = tpu.memref_slice %arg4[%mul3A_2, %dma_wait3A_13] : memref<256x128xf32, #tpu.memory_space<hbm>> -> memref<8x128xf32, #tpu.memory_space<hbm>>
      tpu.wait_dma2 semaphore(%run_scoped3A : memref<!tpu.dma_semaphore, #tpu.memory_space<semaphore_mem>>) src(%arg6 : memref<8x128xf32, #tpu.memory_space<vmem>>) dst(%dma_wait3A_14 : memref<8x128xf32, #tpu.memory_space<hbm>>)
      tpu.yield
    }) : () -> ()
    return
  }
}

module attributes {stable_mosaic.version = 14 : i64} {
  func.func @_fused_body(%arg0: i32, %arg1: memref<1x6400xf32, #tpu.memory_space<vmem>>, %arg2: memref<6400x128xf32, #tpu.memory_space<vmem>>, %arg3: memref<1x128xf32, #tpu.memory_space<vmem>>, %arg4: memref<25600x128xf32, #tpu.memory_space<vmem>>, %arg5: memref<25600xf32, #tpu.memory_space<vmem>>, %arg6: memref<1x25600xf32, #tpu.memory_space<vmem>>, %arg7: memref<1x128xf32, #tpu.memory_space<vmem>>, %arg8: memref<4x1x25600xf32, #tpu.memory_space<vmem>>, %arg9: memref<1xf32, #tpu.memory_space<smem>>, %arg10: memref<1xf32, #tpu.memory_space<smem>>) attributes {dimension_semantics = [#tpu.dimension_semantics<arbitrary>], iteration_bounds = array<i64: 12>, scalar_prefetch = 0 : i64, scratch_operands = 4 : i64, tpu.core_type = #tpu.core_type<tc>, window_params = [{transform_indices = @transform_0, window_bounds = array<i64: 1, 6400>}, {transform_indices = @transform_1, window_bounds = array<i64: 6400, 128>}, {pipeline_mode = #tpu.pipeline_mode<synchronous>, transform_indices = @transform_2, window_bounds = array<i64: 1, 128>}, {transform_indices = @transform_3, window_bounds = array<i64: 25600, 128>}, {transform_indices = @transform_4, window_bounds = array<i64: 25600>}, {transform_indices = @transform_5, window_bounds = array<i64: 1, 25600>}]} {
    %eq3A = arith.constant 0 : i32
    %eq3A_0 = arith.cmpi eq, %arg0, %eq3A : i32
    %convert_element_type3A = arith.extui %eq3A_0 : i1 to i32
    %cond3A = arith.constant 0 : i32
    %cond3A_1 = arith.cmpi ne, %convert_element_type3A, %cond3A : i32
    scf.if %cond3A_1 {
      %broadcast_in_dim3A = arith.constant 0.000000e+00 : f32
      %broadcast_in_dim3A_17 = vector.broadcast %broadcast_in_dim3A : f32 to vector<1x128xf32>
      %swap3A = arith.constant 0 : index
      %swap3A_18 = arith.constant 0 : index
      %swap3A_19 = vector.load %arg7[%swap3A, %swap3A_18] : memref<1x128xf32, #tpu.memory_space<vmem>>, vector<1x128xf32>
      tpu.vector_store %arg7[%swap3A, %swap3A_18], %broadcast_in_dim3A_17 {strides = array<i32>} : memref<1x128xf32, #tpu.memory_space<vmem>>, vector<1x128xf32>,
      %swap3A_20 = arith.constant 0xFF800000 : f32
      %swap3A_21 = arith.constant 0 : index
      %swap3A_22 = memref.load %arg9[%swap3A_21] : memref<1xf32, #tpu.memory_space<smem>>
      memref.store %swap3A_20, %arg9[%swap3A_21] : memref<1xf32, #tpu.memory_space<smem>>
      %swap3A_23 = arith.constant 0.000000e+00 : f32
      %swap3A_24 = arith.constant 0 : index
      %swap3A_25 = memref.load %arg10[%swap3A_24] : memref<1xf32, #tpu.memory_space<smem>>
      memref.store %swap3A_23, %arg10[%swap3A_24] : memref<1xf32, #tpu.memory_space<smem>>
    } else {
    }
    %lt3A = arith.constant 4 : i32
    %lt3A_2 = arith.cmpi slt, %arg0, %lt3A : i32
    %convert_element_type3A_3 = arith.extui %lt3A_2 : i1 to i32
    %cond3A_4 = arith.constant 0 : i32
    %cond3A_5 = arith.cmpi ne, %convert_element_type3A_3, %cond3A_4 : i32
    scf.if %cond3A_5 {
      %get3A = arith.constant 0 : index
      %get3A_17 = arith.constant 0 : index
      %get3A_18 = vector.load %arg7[%get3A, %get3A_17] : memref<1x128xf32, #tpu.memory_space<vmem>>, vector<1x128xf32>
      %get3A_19 = arith.constant 0 : index
      %get3A_20 = arith.constant 0 : index
      %get3A_21 = vector.load %arg1[%get3A_19, %get3A_20] : memref<1x6400xf32, #tpu.memory_space<vmem>>, vector<1x6400xf32>
      %get3A_22 = arith.constant 0 : index
      %get3A_23 = arith.constant 0 : index
      %get3A_24 = vector.load %arg2[%get3A_22, %get3A_23] : memref<6400x128xf32, #tpu.memory_space<vmem>>, vector<6400x128xf32>
      %dot_general3A = arith.constant dense<0.000000e+00> : vector<1x128xf32>
      %dot_general3A_25 = tpu.matmul %get3A_21, %get3A_24, %dot_general3A {dimension_numbers = #tpu.dot_dimension_numbers<[1], [0], [0], [1], [0, 0, 1, 1], [], []>, transpose_lhs_hint = false} : vector<1x6400xf32>, vector<6400x128xf32>, vector<1x128xf32> -> vector<1x128xf32>
      %add3A = arith.addf %get3A_18, %dot_general3A_25 : vector<1x128xf32>
      %eq3A_26 = arith.constant 3 : i32
      %eq3A_27 = arith.cmpi eq, %arg0, %eq3A_26 : i32
      %get3A_28 = arith.constant 0 : index
      %get3A_29 = arith.constant 0 : index
      %get3A_30 = vector.load %arg3[%get3A_28, %get3A_29] : memref<1x128xf32, #tpu.memory_space<vmem>>, vector<1x128xf32>
      %add3A_31 = arith.addf %add3A, %get3A_30 : vector<1x128xf32>
      %max3A = arith.constant 0.000000e+00 : f32
      %max3A_32 = vector.broadcast %max3A : f32 to vector<1x128xf32>
      %max3A_33 = arith.maximumf %add3A_31, %max3A_32 : vector<1x128xf32>
      %select_n3A = arith.select %eq3A_27, %max3A_33, %add3A : vector<1x128xf32>
      %swap3A = arith.constant 0 : index
      %swap3A_34 = arith.constant 0 : index
      %swap3A_35 = vector.load %arg7[%swap3A, %swap3A_34] : memref<1x128xf32, #tpu.memory_space<vmem>>, vector<1x128xf32>
      tpu.vector_store %arg7[%swap3A, %swap3A_34], %select_n3A {strides = array<i32>} : memref<1x128xf32, #tpu.memory_space<vmem>>, vector<1x128xf32>,
    } else {
    }
    %ge3A = arith.constant 4 : i32
    %ge3A_6 = arith.cmpi sge, %arg0, %ge3A : i32
    %lt3A_7 = arith.constant 8 : i32
    %lt3A_8 = arith.cmpi slt, %arg0, %lt3A_7 : i32
    %and3A = arith.andi %ge3A_6, %lt3A_8 : i1
    %convert_element_type3A_9 = arith.extui %and3A : i1 to i32
    %cond3A_10 = arith.constant 0 : i32
    %cond3A_11 = arith.cmpi ne, %convert_element_type3A_9, %cond3A_10 : i32
    scf.if %cond3A_11 {
      %sub3A = arith.constant 4 : i32
      %sub3A_17 = arith.subi %arg0, %sub3A : i32
      %get3A = arith.constant 0 : index
      %get3A_18 = arith.constant 0 : index
      %get3A_19 = vector.load %arg7[%get3A, %get3A_18] : memref<1x128xf32, #tpu.memory_space<vmem>>, vector<1x128xf32>
      %get3A_20 = arith.constant 0 : index
      %get3A_21 = arith.constant 0 : index
      %get3A_22 = vector.load %arg4[%get3A_20, %get3A_21] : memref<25600x128xf32, #tpu.memory_space<vmem>>, vector<25600x128xf32>
      %dot_general3A = arith.constant dense<0.000000e+00> : vector<1x25600xf32>
      %dot_general3A_23 = tpu.matmul %get3A_19, %get3A_22, %dot_general3A {dimension_numbers = #tpu.dot_dimension_numbers<[1], [1], [0], [0], [0, 0, 1, 0], [], []>, transpose_lhs_hint = false} : vector<1x128xf32>, vector<25600x128xf32>, vector<1x25600xf32> -> vector<1x25600xf32>
      %get3A_24 = arith.constant 0 : index
      %get3A_25 = vector.load %arg5[%get3A_24] : memref<25600xf32, #tpu.memory_space<vmem>>, vector<25600xf32>
      %reshape3A = vector.shape_cast %get3A_25 : vector<25600xf32> to vector<1x25600xf32>
      %add3A = arith.addf %dot_general3A_23, %reshape3A : vector<1x25600xf32>
      %mul3A = arith.constant 25600 : i32
      %mul3A_26 = arith.muli %sub3A_17, %mul3A : i32
      %iota3A = tpu.iota {dimensions = array<i32: 1>} : vector<1x25600xi32>
      %add3A_27 = vector.broadcast %mul3A_26 : i32 to vector<1x25600xi32>
      %add3A_28 = arith.addi %add3A_27, %iota3A : vector<1x25600xi32>
      %lt3A_29 = arith.constant 100000 : i32
      %lt3A_30 = vector.broadcast %lt3A_29 : i32 to vector<1x25600xi32>
      %lt3A_31 = arith.cmpi slt, %add3A_28, %lt3A_30 : vector<1x25600xi32>
      %jit3A = arith.constant 0xFF800000 : f32
      %broadcast_in_dim3A = vector.broadcast %jit3A : f32 to vector<1x25600xf32>
      %select_n3A = arith.select %lt3A_31, %add3A, %broadcast_in_dim3A : vector<1x25600xi1>, vector<1x25600xf32>
      %reduce_max3A = vector.shape_cast %select_n3A : vector<1x25600xf32> to vector<1x1x25600xf32>
      %reduce_max3A_32 = arith.constant dense<0xFF800000> : vector<1xf32>
      %reduce_max3A_33 = vector.multi_reduction <maximumf>, %reduce_max3A, %reduce_max3A_32 [1, 2] : vector<1x1x25600xf32> to vector<1xf32>
      %reduce_max3A_34 = vector.shape_cast %reduce_max3A_33 : vector<1xf32> to vector<1x1x1xf32>
      %reduce_max3A_35 = vector.extract %reduce_max3A_34[0, 0, 0] : f32 from vector<1x1x1xf32>
      %get3A_36 = arith.constant 0 : index
      %get3A_37 = memref.load %arg9[%get3A_36] : memref<1xf32, #tpu.memory_space<smem>>
      %max3A = arith.maximumf %get3A_37, %reduce_max3A_35 : f32
      %get3A_38 = arith.constant 0 : index
      %get3A_39 = memref.load %arg10[%get3A_38] : memref<1xf32, #tpu.memory_space<smem>>
      %sub3A_40 = arith.subf %get3A_37, %max3A : f32
      %exp3A = math.exp %sub3A_40 : f32
      %mul3A_41 = arith.mulf %get3A_39, %exp3A : f32
      %sub3A_42 = vector.broadcast %max3A : f32 to vector<1x25600xf32>
      %sub3A_43 = arith.subf %add3A, %sub3A_42 : vector<1x25600xf32>
      %exp3A_44 = math.exp %sub3A_43 : vector<1x25600xf32>
      %jit3A_45 = arith.constant 0.000000e+00 : f32
      %broadcast_in_dim3A_46 = vector.broadcast %jit3A_45 : f32 to vector<1x25600xf32>
      %select_n3A_47 = arith.select %lt3A_31, %exp3A_44, %broadcast_in_dim3A_46 : vector<1x25600xi1>, vector<1x25600xf32>
      %reduce_sum3A = vector.shape_cast %select_n3A_47 : vector<1x25600xf32> to vector<1x1x25600xf32>
      %reduce_sum3A_48 = arith.constant dense<0.000000e+00> : vector<1xf32>
      %reduce_sum3A_49 = vector.multi_reduction <add>, %reduce_sum3A, %reduce_sum3A_48 [1, 2] : vector<1x1x25600xf32> to vector<1xf32>
      %reduce_sum3A_50 = vector.shape_cast %reduce_sum3A_49 : vector<1xf32> to vector<1x1x1xf32>
      %reduce_sum3A_51 = vector.extract %reduce_sum3A_50[0, 0, 0] : f32 from vector<1x1x1xf32>
      %add3A_52 = arith.addf %mul3A_41, %reduce_sum3A_51 : f32
      %swap3A = arith.constant 0 : index
      %swap3A_53 = memref.load %arg10[%swap3A] : memref<1xf32, #tpu.memory_space<smem>>
      memref.store %add3A_52, %arg10[%swap3A] : memref<1xf32, #tpu.memory_space<smem>>
      %swap3A_54 = arith.constant 0 : index
      %swap3A_55 = memref.load %arg9[%swap3A_54] : memref<1xf32, #tpu.memory_space<smem>>
      memref.store %max3A, %arg9[%swap3A_54] : memref<1xf32, #tpu.memory_space<smem>>
      %swap3A_56 = arith.index_cast %sub3A_17 : i32 to index
      %swap3A_57 = arith.constant 0 : index
      %swap3A_58 = arith.constant 0 : index
      %swap3A_59 = vector.load %arg8[%swap3A_56, %swap3A_57, %swap3A_58] : memref<4x1x25600xf32, #tpu.memory_space<vmem>>, vector<1x1x25600xf32>
      %swap3A_60 = vector.shape_cast %swap3A_59 : vector<1x1x25600xf32> to vector<1x25600xf32>
      %swap3A_61 = vector.shape_cast %add3A : vector<1x25600xf32> to vector<1x1x25600xf32>
      tpu.vector_store %arg8[%swap3A_56, %swap3A_57, %swap3A_58], %swap3A_61 {strides = array<i32>} : memref<4x1x25600xf32, #tpu.memory_space<vmem>>, vector<1x1x25600xf32>,
    } else {
    }
    %ge3A_12 = arith.constant 8 : i32
    %ge3A_13 = arith.cmpi sge, %arg0, %ge3A_12 : i32
    %convert_element_type3A_14 = arith.extui %ge3A_13 : i1 to i32
    %cond3A_15 = arith.constant 0 : i32
    %cond3A_16 = arith.cmpi ne, %convert_element_type3A_14, %cond3A_15 : i32
    scf.if %cond3A_16 {
      %sub3A = arith.constant 4 : i32
      %sub3A_17 = arith.subi %arg0, %sub3A : i32
      %sub3A_18 = arith.constant 4 : i32
      %sub3A_19 = arith.subi %sub3A_17, %sub3A_18 : i32
      %get3A = arith.index_cast %sub3A_19 : i32 to index
      %get3A_20 = arith.constant 0 : index
      %get3A_21 = arith.constant 0 : index
      %get3A_22 = vector.load %arg8[%get3A, %get3A_20, %get3A_21] : memref<4x1x25600xf32, #tpu.memory_space<vmem>>, vector<1x1x25600xf32>
      %get3A_23 = vector.shape_cast %get3A_22 : vector<1x1x25600xf32> to vector<1x25600xf32>
      %get3A_24 = arith.constant 0 : index
      %get3A_25 = memref.load %arg9[%get3A_24] : memref<1xf32, #tpu.memory_space<smem>>
      %get3A_26 = arith.constant 0 : index
      %get3A_27 = memref.load %arg10[%get3A_26] : memref<1xf32, #tpu.memory_space<smem>>
      %log3A = math.log %get3A_27 : f32
      %add3A = arith.addf %get3A_25, %log3A : f32
      %sub3A_28 = vector.broadcast %add3A : f32 to vector<1x25600xf32>
      %sub3A_29 = arith.subf %get3A_23, %sub3A_28 : vector<1x25600xf32>
      %swap3A = arith.constant 0 : index
      %swap3A_30 = arith.constant 0 : index
      %swap3A_31 = vector.load %arg6[%swap3A, %swap3A_30] : memref<1x25600xf32, #tpu.memory_space<vmem>>, vector<1x25600xf32>
      tpu.vector_store %arg6[%swap3A, %swap3A_30], %sub3A_29 {strides = array<i32>} : memref<1x25600xf32, #tpu.memory_space<vmem>>, vector<1x25600xf32>,
    } else {
    }
    return
  }
  func.func @transform_0(%arg0: i32) -> (i32, i32) {
    %min3A = arith.constant 3 : i32
    %min3A_0 = arith.minsi %arg0, %min3A : i32
    %c0_i32 = arith.constant 0 : i32
    %c0_i32_1 = arith.constant 0 : i32
    return %c0_i32, %min3A_0 : i32, i32
  }
  func.func @transform_1(%arg0: i32) -> (i32, i32) {
    %min3A = arith.constant 3 : i32
    %min3A_0 = arith.minsi %arg0, %min3A : i32
    %c0_i32 = arith.constant 0 : i32
    %c0_i32_1 = arith.constant 0 : i32
    return %min3A_0, %c0_i32 : i32, i32
  }
  func.func @transform_2(%arg0: i32) -> (i32, i32) {
    %c0_i32 = arith.constant 0 : i32
    %c0_i32_0 = arith.constant 0 : i32
    %c0_i32_1 = arith.constant 0 : i32
    return %c0_i32, %c0_i32_0 : i32, i32
  }
  func.func @transform_3(%arg0: i32) -> (i32, i32) {
    %sub3A = arith.constant 4 : i32
    %sub3A_0 = arith.subi %arg0, %sub3A : i32
    %jit3A = arith.constant 0 : i32
    %jit3A_1 = arith.constant 3 : i32
    %max3A = arith.maxsi %jit3A, %sub3A_0 : i32
    %min3A = arith.minsi %jit3A_1, %max3A : i32
    %c0_i32 = arith.constant 0 : i32
    %c0_i32_2 = arith.constant 0 : i32
    return %min3A, %c0_i32 : i32, i32
  }
  func.func @transform_4(%arg0: i32) -> i32 {
    %sub3A = arith.constant 4 : i32
    %sub3A_0 = arith.subi %arg0, %sub3A : i32
    %jit3A = arith.constant 0 : i32
    %jit3A_1 = arith.constant 3 : i32
    %max3A = arith.maxsi %jit3A, %sub3A_0 : i32
    %min3A = arith.minsi %jit3A_1, %max3A : i32
    %c0_i32 = arith.constant 0 : i32
    return %min3A : i32
  }
  func.func @transform_5(%arg0: i32) -> (i32, i32) {
    %sub3A = arith.constant 4 : i32
    %sub3A_0 = arith.subi %arg0, %sub3A : i32
    %sub3A_1 = arith.constant 4 : i32
    %sub3A_2 = arith.subi %sub3A_0, %sub3A_1 : i32
    %jit3A = arith.constant 0 : i32
    %jit3A_3 = arith.constant 3 : i32
    %max3A = arith.maxsi %jit3A, %sub3A_2 : i32
    %min3A = arith.minsi %jit3A_3, %max3A : i32
    %c0_i32 = arith.constant 0 : i32
    %c0_i32_4 = arith.constant 0 : i32
    return %c0_i32, %min3A : i32, i32
  }
}

</mosaic_0001>

<sc_bundles>
// kernel: kernel.4.cloned.1.call-start
scs
__scs_entry_jumppad:
0x0: {  	(pc) =	sbr.rel $0x88, $3  }
0x1: {  	(tag) =	ssettag $0x0;
	lr =	simm.s32 $0x1  }
0x2: {  	[smem:$0x3F9B] =	sst lr;
	_ =	strace $0xD0000000  }
0x3: {  	_ = 	snop  }
0x4: {  	_ = 	snop  }
0x5: {  	_ = 	snop  }
0x6: {  	_ = 	snop  }
0x7: {  	_ = 	snop  }
__scs_overlays_trampoline_lowered:
0x8: {  	[smem:$0x3FAA] =	sst s0  }
0x9: {  	[smem:$0x3FAB] =	sst s1  }
0xa: {  	[smem:$0x3FAC] =	sst s2  }
0xb: {  	[smem:$0x3FAD] =	sst s3  }
0xc: {  	[smem:$0x3FAE] =	sst s4  }
0xd: {  	[smem:$0x3FAF] =	sst s5  }
0xe: {  	[smem:$0x3FB0] =	sst s6  }
0xf: {  	[smem:$0x3FB1] =	sst s7  }
0x10: {  	[smem:$0x3FB2] =	sst s8  }
0x11: {  	[smem:$0x3FB3] =	sst s9;
	s0 =	simm.s32 @!p0 $0x0  }
0x12: {  	s1 =	sld [smem:$0x3F99];
	s0 =	simm.s32 @p0 $0x1  }
0x13: {  	[smem:$0x3FB4] =	sst s0;
	s0 =	simm.s32 @!p1 $0x0  }
0x14: {  	s2 =	sld [smem:$0x3F98];
	s0 =	simm.s32 @p1 $0x1  }
0x15: {  	[smem:$0x3FB5] =	sst s0;
	s0 =	simm.s32 @!p2 $0x0  }
0x16: {  	s3 =	sld [smem:$0x3FDB];
	s0 =	simm.s32 @p2 $0x1  }
0x17: {  	s4 =	simm.s32 $0x1BF5;
	[smem:$0x3FB7] =	sst s0  }
0x18: {  	s0 =	sld [smem:$0x3F9A];
	_ =	swait.ge [sflag:s4], $0x0  }
0x19: {  	s7 =	sld [smem:$0x3F9B]  }
0x1a: {  	s8 =	sadd.s32 $0xFFFFE003, lr  }
0x1b: {  	s9 =	sadd.s32 $0xFFFFFEF7, lr;
	s5 =	simm.s32 $0xFFFFFFFF;
	p2 =	slt.u32 s8, $0xFFFFF086  }
0x1c: {  	p1 =	slt.u32 s9, $0xF7A;
	s5 =	simm.s32 @!p2 $0x0  }
0x1d: {  	s5 =	simm.s32 @p1 $0x1;
	p0 =	seq.s32 s7, s2  }
0x1e: {  	s7 =	smul.u32 @!p0 $0xF7A, s2;
	p2 =	seq.s32 @!p0 s5, $0x0  }
0x1f: {  	s9 =	smul.u32 $0xF7A, s1;
	s8 =	simm.s32 @!p0 $0x1BF5;
	p2 =	por !p2, p0  }
0x20: {  	[sflag:s8] =	ssyncset.s32 @!p0 $0xFFFFF086;
	s6 =	sadd.s32 @!p0 s3, s7;
	s7 =	simm.s32 @!p0 $0x108  }
0x21: {  	s3 =	sadd.s32 s3, s9;
	s6 =	sadd.s32 @!p0 $0x88, s6;
	s7 =	simm.s32 @p2 $0x1082  }
0x22: {  	[simem:s7], [sflag:s8] =	dma.local @!p0 [hbm:s6], $0xF7A  }
0x23: {  	s9 =	sor.u32 $0xD0000000, s2;
	s6 =	simm.s32 $0x108;
	_ =	swait.ge @!p0 [sflag:s8], $0x0  }
0x24: {  	s3 =	sadd.s32 $0x88, s3;
	s6 =	simm.s32 @!p1 $0x1082;
	[sflag:s4] =	ssyncset.s32 $0xFFFFF086  }
0x25: {  	[simem:s6], [sflag:s4] =	dma.local [hbm:s3], $0xF7A  }
0x26: {  	[smem:$0x3F9B] =	sst s1;
	(tag) =	ssettag s2;
	_ =	strace s9  }
0x27: {  	s1 =	sld [smem:$0x3FAB]  }
0x28: {  	s2 =	sld [smem:$0x3FAC]  }
0x29: {  	s4 =	sld [smem:$0x3FAE]  }
0x2a: {  	p0 =	seq.s32 s5, $0x0;
	s5 =	sld [smem:$0x3FAF]  }
0x2b: {  	s6 =	sld [smem:$0x3FB0]  }
0x2c: {  	s7 =	sld [smem:$0x3FB1]  }
0x2d: {  	s3 =	simm.s32 $0x108;
	s8 =	sld [smem:$0x3FB2]  }
0x2e: {  	s3 =	simm.s32 @!p0 $0x1082;
	s9 =	sld [smem:$0x3FB3]  }
0x2f: {  	lr =	sadd.s32 s0, s3;
	s0 =	sld [smem:$0x3FAA]  }
0x30: {  	s3 =	sld [smem:$0x3FAD]  }
0x31: {  	[smem:$0x3FB6] =	sst s10  }
0x32: {  	s10 =	sld [smem:$0x3FB4];
	_ =	sdelay $0x3  }
0x33: {  	p0 =	seq.s32 s10, $0x1;
	s10 =	sld [smem:$0x3FB6];
	_ =	sdelay $0x3  }
0x34: {  	[smem:$0x3FB6] =	sst s10  }
0x35: {  	s10 =	sld [smem:$0x3FB5];
	_ =	sdelay $0x3  }
0x36: {  	p1 =	seq.s32 s10, $0x1;
	s10 =	sld [smem:$0x3FB6];
	_ =	sdelay $0x3  }
0x37: {  	[smem:$0x3FB6] =	sst s10  }
0x38: {  	s10 =	sld [smem:$0x3FB7]  }
0x39: {  	_ = 	snop;
	(pc) =	sbr.ind lr, $3  }
0x3a: {  	_ = 	snop  }
0x3b: {  	_ = 	snop  }
0x3c: {  	p2 =	seq.s32 s10, $0x1;
	s10 =	sld [smem:$0x3FB6]  }
0x3d: {  	_ =	shalt  }
0x3e: {  	_ =	shalt  }
0x3f: {  	_ =	shalt  }
0x40: {  	_ =	shalt  }
0x41: {  	_ =	shalt  }
0x42: {  	_ =	shalt  }
0x43: {  	_ =	shalt  }
0x44: {  	_ =	shalt  }
0x45: {  	_ =	shalt  }
0x46: {  	_ =	shalt  }
0x47: {  	_ =	shalt  }
0x48: {  	_ =	shalt  }
0x49: {  	_ =	shalt  }
0x4a: {  	_ =	shalt  }
0x4b: {  	_ =	shalt  }
0x4c: {  	_ =	shalt  }
0x4d: {  	_ =	shalt  }
0x4e: {  	_ =	shalt  }
0x4f: {  	_ =	shalt  }
0x50: {  	_ =	shalt  }
0x51: {  	_ =	shalt  }
0x52: {  	_ =	shalt  }
0x53: {  	_ =	shalt  }
0x54: {  	_ =	shalt  }
0x55: {  	_ =	shalt  }
0x56: {  	_ =	shalt  }
0x57: {  	_ =	shalt  }
0x58: {  	_ =	shalt  }
0x59: {  	_ =	shalt  }
0x5a: {  	_ =	shalt  }
0x5b: {  	_ =	shalt  }
0x5c: {  	_ =	shalt  }
0x5d: {  	_ =	shalt  }
0x5e: {  	_ =	shalt  }
0x5f: {  	_ =	shalt  }
0x60: {  	_ =	shalt  }
0x61: {  	_ =	shalt  }
0x62: {  	_ =	shalt  }
0x63: {  	_ =	shalt  }
0x64: {  	_ =	shalt  }
0x65: {  	_ =	shalt  }
0x66: {  	_ =	shalt  }
0x67: {  	_ =	shalt  }
0x68: {  	_ =	shalt  }
0x69: {  	_ =	shalt  }
0x6a: {  	_ =	shalt  }
0x6b: {  	_ =	shalt  }
0x6c: {  	_ =	shalt  }
0x6d: {  	_ =	shalt  }
0x6e: {  	_ =	shalt  }
0x6f: {  	_ =	shalt  }
0x70: {  	_ =	shalt  }
0x71: {  	_ =	shalt  }
0x72: {  	_ =	shalt  }
0x73: {  	_ =	shalt  }
0x74: {  	_ =	shalt  }
0x75: {  	_ =	shalt  }
0x76: {  	_ =	shalt  }
0x77: {  	_ =	shalt  }
0x78: {  	_ =	shalt  }
0x79: {  	_ =	shalt  }
0x7a: {  	_ =	shalt  }
0x7b: {  	_ =	shalt  }
0x7c: {  	_ =	shalt  }
0x7d: {  	_ =	shalt  }
0x7e: {  	_ =	shalt  }
0x7f: {  	_ =	shalt  }
0x80: {  	_ =	shalt  }
0x81: {  	_ =	shalt  }
0x82: {  	_ =	shalt  }
0x83: {  	_ =	shalt  }
0x84: {  	_ =	shalt  }
0x85: {  	_ =	shalt  }
0x86: {  	_ =	shalt  }
0x87: {  	_ =	shalt  }
.Lfunc_end0:
.L_simem_size_0:
called_computation_lowered:
.L_overlay_start_0:
0x88: {  	s2 =	sld [smem:$0x3FD9]  }
0x89: {  	s3 =	sld [smem:$0x3FFE];
	_ =	sdelay $0x1  }
0x8a: {  	s1 =	srdreg.scid  }
0x8b: {  	s0 =	sand.u32 $0x1, s1  }
0x8c: {  	s17 =	sshll.u32 s0, $0xA;
	s2 =	sadd.s32 s3, s2  }
0x8d: {  	s2 =	sadd.s32 s2, s17  }
0x8e: {  	[smem:$0x3FC2] =	sst s2  }
0x8f: {  	_ = 	snop  }
0x90: {  	s2 =	sld [smem:$0x3FC8]  }
0x91: {  	s18 =	sld [smem:$0x3FD0];
	(tm) =	ssettm $0x1  }
0x92: {  	s4 =	sld [smem:$0x3FFB];
	_ =	sdelay $0x3  }
0x93: {  	_ =	strace s4  }
0x94: {  	s4 =	sld [smem:$0x3FFC];
	_ =	sdelay $0x3  }
0x95: {  	_ =	strace s4  }
0x96: {  	s4 =	sld [smem:$0x3FFD];
	_ =	sdelay $0x3  }
0x97: {  	_ =	strace s4  }
0x98: {  	_ =	strace $0x8FFFFFFF  }
0x99: {  	s19 =	sld [smem:$0x3FDB];
	_ =	sdelay $0x1  }
0x9a: {  	s5 =	simm.s32 $_scs_section_size  }
0x9b: {  	s6 =	simm.s32 $_size__tile_overlayer_lowered;
	s7 =	simm.s32 $_tile_overlayer_lowered  }
0x9c: {  	s22 =	simm.s32 $0x1BFF;
	s21 =	sshll.u32 s7, $0x1;
	s4 =	sadd.s32 s5, s19  }
0x9d: {  	s8 =	simm.s32 $0x0;
	s20 =	sshll.u32 s6, $0x1;
	s6 =	sadd.s32 s21, s4  }
0x9e: {  	[timem:s8], [sflag:s22] =	dma.local [hbm:s6], s20  }
0x9f: {  	_ =	swait.ge [sflag:s22], s20  }
0xa0: {  	s5 =	ssub.s32 $0x0, s20;
	[sflag:s22] =	ssyncset.done $0x0  }
0xa1: {  	[sflag:s22] =	ssyncadd.s32 s5;
	_ =	sdelay $0x1  }
0xa2: {  	s23 =	simm.s32 $0x1B8B  }
0xa3: {  	_ =	swait.ge [sflag:s23], $0x1  }
0xa4: {  	[sflag:s23] =	ssyncset.done $0x0  }
0xa5: {  	s25 =	simm.s32 $0x1B8E;
	s24 =	sld [smem:$0x3FFE];
	[sflag:s23] =	ssyncadd.s32 $0xFFFFFFFF  }
0xa6: {  	s26 =	simm.s32 $execute0_lowered;
	[smem:$0x3FD2] =	sst s25  }
0xa7: {  	s6 =	sshll.u32 s26, $0x1;
	_ =	strace $0x80000046;
	[dreg:$0x1] =	wrdreg $0xFFFFFFFF  }
0xa8: {  	s28 =	simm.s32 $_size_execute0_lowered;
	s4 =	sadd.s32 s4, s6;
	[dreg:$0x0] =	wrdreg $0x0  }
0xa9: {  	s6 =	sshll.u32 s28, $0x1;
	[dreg:$0x2] =	wrdreg s4  }
0xaa: {  	[dreg:$0x3] =	wrdreg s6  }
0xab: {  	[dreg:$0x4] =	wrdreg $0xC0  }
0xac: {  	_ =	task [dreg:s8], $0x5FFFF  }
0xad: {  	[dreg:$0x1] =	wrdreg $0xFFFFFFFF  }
0xae: {  	[dreg:$0x0] =	wrdreg $0x60  }
0xaf: {  	[dreg:$0x2] =	wrdreg s2  }
0xb0: {  	[dreg:$0x3] =	wrdreg s24  }
0xb1: {  	[dreg:$0x4] =	wrdreg s18  }
0xb2: {  	[dreg:$0x5] =	wrdreg $0x9  }
0xb3: {  	_ =	task.clear_ibuf [dreg:s8], $0x6FFFF;
	_ =	strace $0x90000046  }
0xb4: {  	s29 =	simm.s32 $0x9;
	_ =	strace $0x80000048  }
0xb5: {  	_ =	swait.ge [sflag:s29], $0x1  }
0xb6: {  	[sflag:s29] =	ssyncadd.s32 $0xFFFFFFFF  }
0xb7: {  	_ =	strace $0x90000048  }
0xb8: {  	_ =	sfence  }
0xb9: {  	s30 =	sld [smem:$0x0];
	_ =	sdelay $0x2  }
0xba: {  	s31 =	sshll.u32 s1, $0xD;
	s1 =	sshrl.u32 s1, $0x2  }
0xbb: {  	s3 =	sand.u32 $0x4000, s31;
	s1 =	sadd.s32 s1, s30  }
0xbc: {  	s0 =	sor.u32 s3, s0;
	s1 =	sshll.u32 s1, $0x11  }
0xbd: {  	s0 =	sor.u32 s1, s0  }
0xbe: {  	s0 =	sadd.s32 $0x8F2B, s0  }
0xbf: {  	[sflag:s0] =	ssyncadd.remote.s32 $0x1  }
0xc0: {  	_ =	sfence.sel $0xFFFF  }
0xc1: {  	[dreg:$0x0] =	wrdreg $0xFFFFFFFF;
	(pc) =	sbr.abs _section_cstart, $3  }
0xc2: {  	[dreg:$0x1] =	wrdreg $0xFFFFFFFF  }
0xc3: {  	_ =	task.clear_ibuf [dreg:s8], $0x2FFFF;
	_ =	strace $0x9FFFFFFF  }
0xc4: {  	(tm) =	ssettm $0x7FFFFFFF  }
0xc5: {  	_ =	shalt  }
tec
execute0_lowered:
.L_overlay_start_1:
0x0: {  	(tag) =	ssettag $0x1  }
0x1: {  	s2 =	srdreg.scid  }
0x2: {  	s1 =	rddreg [dreg:$0x0];
	s0 =	stileid.u32;
	s6 =	sand.u32 $0x1, s2  }
0x3: {  	s4 =	rddreg [dreg:$0x1];
	s30 =	sshll.u32 s0, $0x4;
	s3 =	sshll.u32 s6, $0x3  }
0x4: {  	s9 =	rddreg [dreg:$0x2];
	s10 =	sor.u32 s3, s30  }
0x5: {  	s2 =	rddreg [dreg:$0x3];
	s3 =	simm.s32 $0x0;
	s5 =	sshrl.u32 s10, $0x3  }
0x6: {  	s11 =	ssub.s32 $0x2, s6;
	[smem:$0x7FF] =	sst s3;
	s4 =	sadd.s32 s5, s4  }
0x7: {  	_ =	strace $0x80000047;
	s5 =	sadd.s32 $0xA00, s4;
	s4 =	simm.s32 $0x2  }
0x8: {  	[tilespmem:s3], [sflag:$0x2] =	stream.linear.gather [hbm4b:s5+s3], $0x8, $0x38;
	[tilespmem:$0x480] =	vst v63  }
0x9: {  	s7 =	simm.s32 $0x80;
	s12 =	sshrl.u32 s11, $0x1;
	_ =	swait.ge [sflag:s4], $0x8  }
0xa: {  	s8 =	simm.s32 $0x1;
	s11 =	ssub.s32 s11, s12;
	[sflag:s4] =	ssyncset.done $0x0  }
0xb: {  	s6 =	simm.s32 $0x8;
	s31 =	smax.u32 s11, $0x1;
	[sflag:s4] =	ssyncadd.s32 $0xFFFFFFF8  }
0xc: {  	[tilespmem:s7], [sflag:$0x1] =	stream.indirect.gather [hbm4b:s1+s6], $0x80, s3, s6, $0xb8;
	[tilespmem:$0x480] =	vst v63  }
0xd: {  	p0 =	sne.s32 s31, $0x1;
	_ =	swait.ge [sflag:s8], $0x400  }
.Ltmp0:
0xe: {  	s10 =	sshll.u32 s10, $0x4;
	[sflag:s8] =	ssyncset.done $0x0;
	(pc) =	sbr.rel @!p0 .LBB2_2-.Ltmp0, $4  }
0xf: {  	s9 =	sadd.s32 s9, s10;
	[sflag:s8] =	ssyncadd.s32 $0xFFFFFC00  }
0x10: {  	[hbm4b:s9+s3] =	stream.linear.scatter [tilespmem:s7], [sflag:$0x2], $0x400, $0x38;
	[tilespmem:$0x480] =	vst v63  }
0x11: {  	_ =	swait.ge [sflag:s4], $0x400  }
0x12: {  	s10 =	sadd.s32 $0xFFFFFFFF, s31;
	[sflag:s4] =	ssyncset.done $0x0  }
.LBB2_1:
0x13: {  	p0 =	sne.s32 s10, $0x1;
	s10 =	sadd.s32 $0xFFFFFFFF, s10;
	[sflag:s4] =	ssyncadd.s32 $0xFFFFFC00  }
0x14: {  	[tilespmem:s3], [sflag:$0x2] =	stream.linear.gather [hbm4b:s5+s3], $0x8, $0x38;
	[tilespmem:$0x480] =	vst v63  }
0x15: {  	_ =	swait.ge [sflag:s4], $0x8  }
0x16: {  	[sflag:s4] =	ssyncset.done $0x0  }
0x17: {  	[sflag:s4] =	ssyncadd.s32 $0xFFFFFFF8  }
0x18: {  	[tilespmem:s7], [sflag:$0x1] =	stream.indirect.gather [hbm4b:s1+s6], $0x80, s3, s6, $0xb8;
	[tilespmem:$0x480] =	vst v63  }
0x19: {  	_ =	swait.ge [sflag:s8], $0x400  }
.Ltmp1:
0x1a: {  	[sflag:s8] =	ssyncset.done $0x0;
	(pc) =	sbr.rel @p0 .LBB2_1-.Ltmp1, $4  }
0x1b: {  	[sflag:s8] =	ssyncadd.s32 $0xFFFFFC00  }
0x1c: {  	[hbm4b:s9+s3] =	stream.linear.scatter [tilespmem:s7], [sflag:$0x2], $0x400, $0x38;
	[tilespmem:$0x480] =	vst v63  }
0x1d: {  	_ =	swait.ge [sflag:s4], $0x400  }
0x1e: {  	[sflag:s4] =	ssyncset.done $0x0  }
.LBB2_2:
0x1f: {  	[sflag:s4] =	ssyncadd.s32 $0xFFFFFC00  }
0x20: {  	_ =	sfence.sel $0x180000  }
0x21: {  	[bflag:$0x0] =	sbarrier.arrive $0xFFFF  }
0x22: {  	p0 =	sne.s32 s0, $0x0;
	_ =	strace $0x90000047  }
0x23: {  	s0 =	sadd.s32 @!p0 $0x100000, s2;
	[bflag:$0x2] =	sbarrier.arrive $0xFFFF  }
0x24: {  	[sflag:s0] =	ssyncadd.tile.s32 @!p0 $0x1;
	_ =	shalt  }
.Lfunc_end2:
_tile_overlayer_lowered:
.L_overlay_start_2:
0x25: {  	(tag) =	ssettag $0x2  }
0x26: {  	s0 =	rddreg [dreg:$0x0];
	s2 =	stileid.u32  }
0x27: {  	s1 =	rddreg [dreg:$0x1];
	p0 =	sne.s32 s2, $0x0  }
0x28: {  	s3 =	rddreg [dreg:$0x2];
	[bflag:$0x3] =	sbarrier.arrive $0xFFFF;
	s2 =	simm.s32 @!p0 $0x1C02  }
0x29: {  	[timem:s3], [sflag:s2] =	dma.local @!p0 [hbm:s0], s1  }
0x2a: {  	s0 =	simm.s32 @!p0 $0x2  }
0x2b: {  	_ =	swait.ge @!p0 [sflag:s0], s1  }
0x2c: {  	s1 =	ssub.s32 @!p0 $0x0, s1;
	[sflag:s0] =	ssyncset.done @!p0 $0x0  }
0x2d: {  	[sflag:s0] =	ssyncadd.s32 @!p0 s1  }
0x2e: {  	[bflag:$0x3] =	sbarrier.arrive $0xFFFF  }
0x2f: {  	_ =	shalt  }

</sc_bundles>
